<compile_context>
chip_gen: v7x
topology: tpu7x:2x2x1
jax: 0.10.2.dev20260603
libtpu: 0.0.44.dev20260713+nightly
codegen_flags: <defaults>
</compile_context>

<pallas_src>
import functools

import jax
import jax.numpy as jnp
import numpy as np
from jax import lax
from jax.experimental import pallas as pl
from jax.experimental.pallas import tpu as pltpu
from jax.experimental.pallas import tpu_sc as plsc

_T = 1000
_betas = np.linspace(0.0001, 0.02, _T, dtype=np.float64)
_acp = np.cumprod(1.0 - _betas, axis=0)
_A_NP = np.sqrt(_acp).astype(np.float32)
_C_NP = np.sqrt((1.0 - _acp).astype(np.float32))

_PAD = 1024
_TABLE = np.concatenate(
    [np.pad(_A_NP, (0, _PAD - _T)), np.pad(_C_NP, (0, _PAD - _T))]
)

_B = 32


@functools.partial(
    pl.kernel,
    out_type=jax.ShapeDtypeStruct((2 * _B,), jnp.float32),
    mesh=plsc.VectorSubcoreMesh(core_axis_name="c", subcore_axis_name="s"),
    scratch_types=[
        pltpu.VMEM((2 * _B,), jnp.int32),
        pltpu.VMEM((2 * _B,), jnp.float32),
        pltpu.SemaphoreType.DMA,
    ],
)
def _sc_coef(tab_hbm, t_hbm, coef_out, idx_v, out_v, sem):
    wid = lax.axis_index("s") * 2 + lax.axis_index("c")

    @pl.when(wid == 0)
    def _():
        pltpu.sync_copy(t_hbm, idx_v.at[pl.ds(0, _B)])
        for h in range(_B // 16):
            idx_v[pl.ds(_B + 16 * h, 16)] = idx_v[pl.ds(16 * h, 16)] + _PAD
        pltpu.async_copy(tab_hbm.at[idx_v], out_v, sem).wait()
        pltpu.sync_copy(out_v, coef_out)


_BB = 4


def _tc_body(coef_ref, x_ref, n_ref, o_ref):
    i = pl.program_id(0)
    for k in range(_BB):
        b = i * _BB + k
        o_ref[k] = x_ref[k] * coef_ref[b] + n_ref[k] * coef_ref[_B + b]


_tc_call = pl.pallas_call(
    _tc_body,
    grid=(_B // _BB,),
    in_specs=[
        pl.BlockSpec(memory_space=pltpu.SMEM),
        pl.BlockSpec((_BB, 3, 224, 224), lambda i: (i, 0, 0, 0)),
        pl.BlockSpec((_BB, 3, 224, 224), lambda i: (i, 0, 0, 0)),
    ],
    out_specs=pl.BlockSpec((_BB, 3, 224, 224), lambda i: (i, 0, 0, 0)),
    out_shape=jax.ShapeDtypeStruct((_B, 3, 224, 224), jnp.float32),
    compiler_params=pltpu.CompilerParams(dimension_semantics=("parallel",)),
)


@jax.jit
def kernel(x_0, t, noise):
    coef = _sc_coef(_TABLE, t)
    return _tc_call(coef, x_0, noise)

# --- scband reference (transcript-rebuilt; emitter-appended) ---
"""Pipeline reference for scband-diffusion-28896539967490 (READ-ONLY COPY).

The authoritative reference and input builder live on the scoring server;
editing this copy changes nothing except your own understanding.
"""

import jax, jax.numpy as jnp
import numpy as np

# ---- schedule constants (linear beta schedule, T=1000), mirroring __init__ ----
T = 1000
_scale = 1000.0 / T
_betas = np.linspace(_scale * 0.0001, _scale * 0.02, T, dtype=np.float64)
_alphas = 1.0 - _betas
_alphas_cumprod = np.cumprod(_alphas, axis=0)
SQRT_ALPHAS_CUMPROD = jnp.asarray(np.sqrt(_alphas_cumprod), dtype=jnp.float32)
ONE_MINUS_ALPHAS_CUMPROD = jnp.asarray(1.0 - _alphas_cumprod, dtype=jnp.float32)


def setup_inputs(seed: int = 0) -> dict:
    key = jax.random.key(seed)
    k1, k2, k3 = jax.random.split(key, 3)
    x_0 = jax.random.normal(k1, (32, 3, 224, 224), dtype=jnp.float32)
    t = jax.random.randint(k2, (32,), 0, 1000, dtype=jnp.int32)
    noise = jax.random.normal(k3, (32, 3, 224, 224), dtype=jnp.float32)
    return {"x_0": x_0, "t": t, "noise": noise}


def _extract(arr, timestep, ndim):
    # arr[t] then broadcast to input rank (matches Diffusion.extract)
    out = jnp.take(arr, timestep, axis=0)
    return out.reshape(out.shape + (1,) * (ndim - out.ndim))


def reference(x_0, t, noise):
    # q_sample: sample from q(x_t | x_0)
    mean = x_0 * _extract(SQRT_ALPHAS_CUMPROD, t, x_0.ndim)
    variance = _extract(ONE_MINUS_ALPHAS_CUMPROD, t, x_0.ndim)
    return mean + jnp.sqrt(variance) * noise

if __name__ == "__main__":
    import jax
    _d = setup_inputs()
    print(jax.jit(kernel)(*tuple(_d.values())))

</pallas_src>

<mosaic_0001>
#map = affine_map<(d0, d1) -> (0)>
module attributes {stable_mosaic.version = 14 : i64} {
  func.func @_sc_coef(%arg0: i32, %arg1: i32, %arg2: memref<2048xf32, #tpu.memory_space<hbm>>, %arg3: memref<32xi32, #tpu.memory_space<hbm>>, %arg4: memref<64xf32, #tpu.memory_space<hbm>>, %arg5: memref<64xi32, #tpu.memory_space<vmem>>, %arg6: memref<64xf32, #tpu.memory_space<vmem>>, %arg7: memref<!tpu.dma_semaphore, #tpu.memory_space<semaphore_mem>>) attributes {dimension_semantics = [#tpu.dimension_semantics<core_parallel>, #tpu.dimension_semantics<subcore_parallel>], iteration_bounds = array<i64: 2, 16>, scalar_prefetch = 0 : i64, scratch_operands = 3 : i64, tpu.core_type = #tpu.core_type<sc_vector_subcore>, window_params = [{transform_indices = #map}, {transform_indices = #map}, {transform_indices = #map}]} {
    %mul3A = arith.constant 2 : i32
    %mul3A_0 = arith.muli %arg1, %mul3A : i32
    %add3A = arith.addi %mul3A_0, %arg0 : i32
    %eq3A = arith.constant 0 : i32
    %eq3A_1 = arith.cmpi eq, %add3A, %eq3A : i32
    %convert_element_type3A = arith.extui %eq3A_1 : i1 to i32
    %cond3A = arith.constant 0 : i32
    %cond3A_2 = arith.cmpi ne, %convert_element_type3A, %cond3A : i32
    scf.if %cond3A_2 {
      "tpu.region"() ({
        %run_scoped3A = tpu.sem_alloc : memref<!tpu.dma_semaphore, #tpu.memory_space<semaphore_mem>>
        %dma_start3A_23 = arith.constant 0 : i32
        %dma_start3A_24 = tpu.memref_slice %arg5[%dma_start3A_23] : memref<64xi32, #tpu.memory_space<vmem>> -> memref<32xi32, #tpu.memory_space<vmem>>
        %dma_start3A_25 = arith.constant 0 : i32
        %dma_start3A_26 = tpu.memref_slice %arg5[%dma_start3A_25] : memref<64xi32, #tpu.memory_space<vmem>> -> memref<32xi32, #tpu.memory_space<vmem>>
        tpu.enqueue_dma source(%arg3 : memref<32xi32, #tpu.memory_space<hbm>>) target(%dma_start3A_26 : memref<32xi32, #tpu.memory_space<vmem>>) target_semaphore(%run_scoped3A : memref<!tpu.dma_semaphore, #tpu.memory_space<semaphore_mem>>)
        %dma_wait3A_27 = arith.constant 0 : i32
        %dma_wait3A_28 = tpu.memref_slice %arg5[%dma_wait3A_27] : memref<64xi32, #tpu.memory_space<vmem>> -> memref<32xi32, #tpu.memory_space<vmem>>
        %dma_wait3A_29 = arith.constant 0 : i32
        %dma_wait3A_30 = tpu.memref_slice %arg5[%dma_wait3A_29] : memref<64xi32, #tpu.memory_space<vmem>> -> memref<32xi32, #tpu.memory_space<vmem>>
        tpu.wait_dma2 semaphore(%run_scoped3A : memref<!tpu.dma_semaphore, #tpu.memory_space<semaphore_mem>>) src(%arg3 : memref<32xi32, #tpu.memory_space<hbm>>) dst(%dma_wait3A_30 : memref<32xi32, #tpu.memory_space<vmem>>)
        tpu.yield
      }) : () -> ()
      %get3A = arith.constant 0 : index
      %get3A_3 = tpu.vector_load %arg5[%get3A] {strides = array<i32>} : memref<64xi32, #tpu.memory_space<vmem>>, vector<16xi32>,
      %get3A_4 = vector.shape_cast %get3A_3 : vector<16xi32> to vector<16xi32>
      %add3A_5 = arith.constant 1024 : i32
      %add3A_6 = vector.broadcast %add3A_5 : i32 to vector<16xi32>
      %add3A_7 = arith.addi %get3A_4, %add3A_6 : vector<16xi32>
      %swap3A = arith.constant 32 : index
      %swap3A_8 = tpu.vector_load %arg5[%swap3A] {strides = array<i32>} : memref<64xi32, #tpu.memory_space<vmem>>, vector<16xi32>,
      %swap3A_9 = vector.shape_cast %swap3A_8 : vector<16xi32> to vector<16xi32>
      %swap3A_10 = vector.shape_cast %add3A_7 : vector<16xi32> to vector<16xi32>
      tpu.vector_store %arg5[%swap3A], %swap3A_10 {strides = array<i32>} : memref<64xi32, #tpu.memory_space<vmem>>, vector<16xi32>,
      %get3A_11 = arith.constant 16 : index
      %get3A_12 = tpu.vector_load %arg5[%get3A_11] {strides = array<i32>} : memref<64xi32, #tpu.memory_space<vmem>>, vector<16xi32>,
      %get3A_13 = vector.shape_cast %get3A_12 : vector<16xi32> to vector<16xi32>
      %add3A_14 = arith.constant 1024 : i32
      %add3A_15 = vector.broadcast %add3A_14 : i32 to vector<16xi32>
      %add3A_16 = arith.addi %get3A_13, %add3A_15 : vector<16xi32>
      %swap3A_17 = arith.constant 48 : index
      %swap3A_18 = tpu.vector_load %arg5[%swap3A_17] {strides = array<i32>} : memref<64xi32, #tpu.memory_space<vmem>>, vector<16xi32>,
      %swap3A_19 = vector.shape_cast %swap3A_18 : vector<16xi32> to vector<16xi32>
      %swap3A_20 = vector.shape_cast %add3A_16 : vector<16xi32> to vector<16xi32>
      tpu.vector_store %arg5[%swap3A_17], %swap3A_20 {strides = array<i32>} : memref<64xi32, #tpu.memory_space<vmem>>, vector<16xi32>,
      %dma_start3A = arith.constant 0 : i32
      %dma_start3A_21 = tpu.memref_slice %arg2[%dma_start3A] : memref<2048xf32, #tpu.memory_space<hbm>> -> memref<2048xf32, #tpu.memory_space<hbm>>
      tpu.enqueue_indirect_dma source(%dma_start3A_21 : memref<2048xf32, #tpu.memory_space<hbm>>) target(%arg6 : memref<64xf32, #tpu.memory_space<vmem>>) offsets(%arg5 : memref<64xi32, #tpu.memory_space<vmem>>) semaphore(%arg7 : memref<!tpu.dma_semaphore, #tpu.memory_space<semaphore_mem>>)
      %dma_wait3A = arith.constant 0 : i32
      %dma_wait3A_22 = tpu.memref_slice %arg2[%dma_wait3A] : memref<2048xf32, #tpu.memory_space<hbm>> -> memref<2048xf32, #tpu.memory_space<hbm>>
      tpu.wait_indirect_dma semaphore(%arg7 : memref<!tpu.dma_semaphore, #tpu.memory_space<semaphore_mem>>) src(%dma_wait3A_22 : memref<2048xf32, #tpu.memory_space<hbm>>) dst(%arg6 : memref<64xf32, #tpu.memory_space<vmem>>)
      "tpu.region"() ({
        %run_scoped3A = tpu.sem_alloc : memref<!tpu.dma_semaphore, #tpu.memory_space<semaphore_mem>>
        tpu.enqueue_dma source(%arg6 : memref<64xf32, #tpu.memory_space<vmem>>) target(%arg4 : memref<64xf32, #tpu.memory_space<hbm>>) target_semaphore(%run_scoped3A : memref<!tpu.dma_semaphore, #tpu.memory_space<semaphore_mem>>)
        tpu.wait_dma2 semaphore(%run_scoped3A : memref<!tpu.dma_semaphore, #tpu.memory_space<semaphore_mem>>) src(%arg6 : memref<64xf32, #tpu.memory_space<vmem>>) dst(%arg4 : memref<64xf32, #tpu.memory_space<hbm>>)
        tpu.yield
      }) : () -> ()
    } else {
    }
    return
  }
}

module attributes {stable_mosaic.version = 14 : i64} {
  func.func @_tc_body(%arg0: i32, %arg1: memref<64xf32, #tpu.memory_space<smem>>, %arg2: memref<4x3x224x224xf32, #tpu.memory_space<vmem>>, %arg3: memref<4x3x224x224xf32, #tpu.memory_space<vmem>>, %arg4: memref<4x3x224x224xf32, #tpu.memory_space<vmem>>) attributes {dimension_semantics = [#tpu.dimension_semantics<parallel>], iteration_bounds = array<i64: 8>, scalar_prefetch = 0 : i64, scratch_operands = 0 : i64, tpu.core_type = #tpu.core_type<tc>, window_params = [{transform_indices = @transform_0, window_bounds = array<i64: 64>}, {transform_indices = @transform_1, window_bounds = array<i64: 4, 3, 224, 224>}, {transform_indices = @transform_2, window_bounds = array<i64: 4, 3, 224, 224>}, {transform_indices = @transform_3, window_bounds = array<i64: 4, 3, 224, 224>}]} {
    %mul3A = arith.constant 4 : i32
    %mul3A_0 = arith.muli %arg0, %mul3A : i32
    %add3A = arith.constant 0 : i32
    %add3A_1 = arith.addi %mul3A_0, %add3A : i32
    %get3A = arith.constant 0 : index
    %get3A_2 = arith.constant 0 : index
    %get3A_3 = arith.constant 0 : index
    %get3A_4 = arith.constant 0 : index
    %get3A_5 = vector.load %arg2[%get3A, %get3A_2, %get3A_3, %get3A_4] : memref<4x3x224x224xf32, #tpu.memory_space<vmem>>, vector<1x3x224x224xf32>
    %get3A_6 = vector.shape_cast %get3A_5 : vector<1x3x224x224xf32> to vector<3x224x224xf32>
    %get3A_7 = arith.index_cast %add3A_1 : i32 to index
    %get3A_8 = memref.load %arg1[%get3A_7] : memref<64xf32, #tpu.memory_space<smem>>
    %mul3A_9 = vector.broadcast %get3A_8 : f32 to vector<3x224x224xf32>
    %mul3A_10 = arith.mulf %get3A_6, %mul3A_9 : vector<3x224x224xf32>
    %get3A_11 = arith.constant 0 : index
    %get3A_12 = arith.constant 0 : index
    %get3A_13 = arith.constant 0 : index
    %get3A_14 = arith.constant 0 : index
    %get3A_15 = vector.load %arg3[%get3A_11, %get3A_12, %get3A_13, %get3A_14] : memref<4x3x224x224xf32, #tpu.memory_space<vmem>>, vector<1x3x224x224xf32>
    %get3A_16 = vector.shape_cast %get3A_15 : vector<1x3x224x224xf32> to vector<3x224x224xf32>
    %add3A_17 = arith.constant 32 : i32
    %add3A_18 = arith.addi %add3A_17, %add3A_1 : i32
    %get3A_19 = arith.index_cast %add3A_18 : i32 to index
    %get3A_20 = memref.load %arg1[%get3A_19] : memref<64xf32, #tpu.memory_space<smem>>
    %mul3A_21 = vector.broadcast %get3A_20 : f32 to vector<3x224x224xf32>
    %mul3A_22 = arith.mulf %get3A_16, %mul3A_21 : vector<3x224x224xf32>
    %add3A_23 = arith.addf %mul3A_10, %mul3A_22 : vector<3x224x224xf32>
    %swap3A = arith.constant 0 : index
    %swap3A_24 = arith.constant 0 : index
    %swap3A_25 = arith.constant 0 : index
    %swap3A_26 = arith.constant 0 : index
    %swap3A_27 = vector.load %arg4[%swap3A, %swap3A_24, %swap3A_25, %swap3A_26] : memref<4x3x224x224xf32, #tpu.memory_space<vmem>>, vector<1x3x224x224xf32>
    %swap3A_28 = vector.shape_cast %swap3A_27 : vector<1x3x224x224xf32> to vector<3x224x224xf32>
    %swap3A_29 = vector.shape_cast %add3A_23 : vector<3x224x224xf32> to vector<1x3x224x224xf32>
    tpu.vector_store %arg4[%swap3A, %swap3A_24, %swap3A_25, %swap3A_26], %swap3A_29 {strides = array<i32>} : memref<4x3x224x224xf32, #tpu.memory_space<vmem>>, vector<1x3x224x224xf32>,
    %mul3A_30 = arith.constant 4 : i32
    %mul3A_31 = arith.muli %arg0, %mul3A_30 : i32
    %add3A_32 = arith.constant 1 : i32
    %add3A_33 = arith.addi %mul3A_31, %add3A_32 : i32
    %get3A_34 = arith.constant 1 : index
    %get3A_35 = arith.constant 0 : index
    %get3A_36 = arith.constant 0 : index
    %get3A_37 = arith.constant 0 : index
    %get3A_38 = vector.load %arg2[%get3A_34, %get3A_35, %get3A_36, %get3A_37] : memref<4x3x224x224xf32, #tpu.memory_space<vmem>>, vector<1x3x224x224xf32>
    %get3A_39 = vector.shape_cast %get3A_38 : vector<1x3x224x224xf32> to vector<3x224x224xf32>
    %get3A_40 = arith.index_cast %add3A_33 : i32 to index
    %get3A_41 = memref.load %arg1[%get3A_40] : memref<64xf32, #tpu.memory_space<smem>>
    %mul3A_42 = vector.broadcast %get3A_41 : f32 to vector<3x224x224xf32>
    %mul3A_43 = arith.mulf %get3A_39, %mul3A_42 : vector<3x224x224xf32>
    %get3A_44 = arith.constant 1 : index
    %get3A_45 = arith.constant 0 : index
    %get3A_46 = arith.constant 0 : index
    %get3A_47 = arith.constant 0 : index
    %get3A_48 = vector.load %arg3[%get3A_44, %get3A_45, %get3A_46, %get3A_47] : memref<4x3x224x224xf32, #tpu.memory_space<vmem>>, vector<1x3x224x224xf32>
    %get3A_49 = vector.shape_cast %get3A_48 : vector<1x3x224x224xf32> to vector<3x224x224xf32>
    %add3A_50 = arith.constant 32 : i32
    %add3A_51 = arith.addi %add3A_50, %add3A_33 : i32
    %get3A_52 = arith.index_cast %add3A_51 : i32 to index
    %get3A_53 = memref.load %arg1[%get3A_52] : memref<64xf32, #tpu.memory_space<smem>>
    %mul3A_54 = vector.broadcast %get3A_53 : f32 to vector<3x224x224xf32>
    %mul3A_55 = arith.mulf %get3A_49, %mul3A_54 : vector<3x224x224xf32>
    %add3A_56 = arith.addf %mul3A_43, %mul3A_55 : vector<3x224x224xf32>
    %swap3A_57 = arith.constant 1 : index
    %swap3A_58 = arith.constant 0 : index
    %swap3A_59 = arith.constant 0 : index
    %swap3A_60 = arith.constant 0 : index
    %swap3A_61 = vector.load %arg4[%swap3A_57, %swap3A_58, %swap3A_59, %swap3A_60] : memref<4x3x224x224xf32, #tpu.memory_space<vmem>>, vector<1x3x224x224xf32>
    %swap3A_62 = vector.shape_cast %swap3A_61 : vector<1x3x224x224xf32> to vector<3x224x224xf32>
    %swap3A_63 = vector.shape_cast %add3A_56 : vector<3x224x224xf32> to vector<1x3x224x224xf32>
    tpu.vector_store %arg4[%swap3A_57, %swap3A_58, %swap3A_59, %swap3A_60], %swap3A_63 {strides = array<i32>} : memref<4x3x224x224xf32, #tpu.memory_space<vmem>>, vector<1x3x224x224xf32>,
    %mul3A_64 = arith.constant 4 : i32
    %mul3A_65 = arith.muli %arg0, %mul3A_64 : i32
    %add3A_66 = arith.constant 2 : i32
    %add3A_67 = arith.addi %mul3A_65, %add3A_66 : i32
    %get3A_68 = arith.constant 2 : index
    %get3A_69 = arith.constant 0 : index
    %get3A_70 = arith.constant 0 : index
    %get3A_71 = arith.constant 0 : index
    %get3A_72 = vector.load %arg2[%get3A_68, %get3A_69, %get3A_70, %get3A_71] : memref<4x3x224x224xf32, #tpu.memory_space<vmem>>, vector<1x3x224x224xf32>
    %get3A_73 = vector.shape_cast %get3A_72 : vector<1x3x224x224xf32> to vector<3x224x224xf32>
    %get3A_74 = arith.index_cast %add3A_67 : i32 to index
    %get3A_75 = memref.load %arg1[%get3A_74] : memref<64xf32, #tpu.memory_space<smem>>
    %mul3A_76 = vector.broadcast %get3A_75 : f32 to vector<3x224x224xf32>
    %mul3A_77 = arith.mulf %get3A_73, %mul3A_76 : vector<3x224x224xf32>
    %get3A_78 = arith.constant 2 : index
    %get3A_79 = arith.constant 0 : index
    %get3A_80 = arith.constant 0 : index
    %get3A_81 = arith.constant 0 : index
    %get3A_82 = vector.load %arg3[%get3A_78, %get3A_79, %get3A_80, %get3A_81] : memref<4x3x224x224xf32, #tpu.memory_space<vmem>>, vector<1x3x224x224xf32>
    %get3A_83 = vector.shape_cast %get3A_82 : vector<1x3x224x224xf32> to vector<3x224x224xf32>
    %add3A_84 = arith.constant 32 : i32
    %add3A_85 = arith.addi %add3A_84, %add3A_67 : i32
    %get3A_86 = arith.index_cast %add3A_85 : i32 to index
    %get3A_87 = memref.load %arg1[%get3A_86] : memref<64xf32, #tpu.memory_space<smem>>
    %mul3A_88 = vector.broadcast %get3A_87 : f32 to vector<3x224x224xf32>
    %mul3A_89 = arith.mulf %get3A_83, %mul3A_88 : vector<3x224x224xf32>
    %add3A_90 = arith.addf %mul3A_77, %mul3A_89 : vector<3x224x224xf32>
    %swap3A_91 = arith.constant 2 : index
    %swap3A_92 = arith.constant 0 : index
    %swap3A_93 = arith.constant 0 : index
    %swap3A_94 = arith.constant 0 : index
    %swap3A_95 = vector.load %arg4[%swap3A_91, %swap3A_92, %swap3A_93, %swap3A_94] : memref<4x3x224x224xf32, #tpu.memory_space<vmem>>, vector<1x3x224x224xf32>
    %swap3A_96 = vector.shape_cast %swap3A_95 : vector<1x3x224x224xf32> to vector<3x224x224xf32>
    %swap3A_97 = vector.shape_cast %add3A_90 : vector<3x224x224xf32> to vector<1x3x224x224xf32>
    tpu.vector_store %arg4[%swap3A_91, %swap3A_92, %swap3A_93, %swap3A_94], %swap3A_97 {strides = array<i32>} : memref<4x3x224x224xf32, #tpu.memory_space<vmem>>, vector<1x3x224x224xf32>,
    %mul3A_98 = arith.constant 4 : i32
    %mul3A_99 = arith.muli %arg0, %mul3A_98 : i32
    %add3A_100 = arith.constant 3 : i32
    %add3A_101 = arith.addi %mul3A_99, %add3A_100 : i32
    %get3A_102 = arith.constant 3 : index
    %get3A_103 = arith.constant 0 : index
    %get3A_104 = arith.constant 0 : index
    %get3A_105 = arith.constant 0 : index
    %get3A_106 = vector.load %arg2[%get3A_102, %get3A_103, %get3A_104, %get3A_105] : memref<4x3x224x224xf32, #tpu.memory_space<vmem>>, vector<1x3x224x224xf32>
    %get3A_107 = vector.shape_cast %get3A_106 : vector<1x3x224x224xf32> to vector<3x224x224xf32>
    %get3A_108 = arith.index_cast %add3A_101 : i32 to index
    %get3A_109 = memref.load %arg1[%get3A_108] : memref<64xf32, #tpu.memory_space<smem>>
    %mul3A_110 = vector.broadcast %get3A_109 : f32 to vector<3x224x224xf32>
    %mul3A_111 = arith.mulf %get3A_107, %mul3A_110 : vector<3x224x224xf32>
    %get3A_112 = arith.constant 3 : index
    %get3A_113 = arith.constant 0 : index
    %get3A_114 = arith.constant 0 : index
    %get3A_115 = arith.constant 0 : index
    %get3A_116 = vector.load %arg3[%get3A_112, %get3A_113, %get3A_114, %get3A_115] : memref<4x3x224x224xf32, #tpu.memory_space<vmem>>, vector<1x3x224x224xf32>
    %get3A_117 = vector.shape_cast %get3A_116 : vector<1x3x224x224xf32> to vector<3x224x224xf32>
    %add3A_118 = arith.constant 32 : i32
    %add3A_119 = arith.addi %add3A_118, %add3A_101 : i32
    %get3A_120 = arith.index_cast %add3A_119 : i32 to index
    %get3A_121 = memref.load %arg1[%get3A_120] : memref<64xf32, #tpu.memory_space<smem>>
    %mul3A_122 = vector.broadcast %get3A_121 : f32 to vector<3x224x224xf32>
    %mul3A_123 = arith.mulf %get3A_117, %mul3A_122 : vector<3x224x224xf32>
    %add3A_124 = arith.addf %mul3A_111, %mul3A_123 : vector<3x224x224xf32>
    %swap3A_125 = arith.constant 3 : index
    %swap3A_126 = arith.constant 0 : index
    %swap3A_127 = arith.constant 0 : index
    %swap3A_128 = arith.constant 0 : index
    %swap3A_129 = vector.load %arg4[%swap3A_125, %swap3A_126, %swap3A_127, %swap3A_128] : memref<4x3x224x224xf32, #tpu.memory_space<vmem>>, vector<1x3x224x224xf32>
    %swap3A_130 = vector.shape_cast %swap3A_129 : vector<1x3x224x224xf32> to vector<3x224x224xf32>
    %swap3A_131 = vector.shape_cast %add3A_124 : vector<3x224x224xf32> to vector<1x3x224x224xf32>
    tpu.vector_store %arg4[%swap3A_125, %swap3A_126, %swap3A_127, %swap3A_128], %swap3A_131 {strides = array<i32>} : memref<4x3x224x224xf32, #tpu.memory_space<vmem>>, vector<1x3x224x224xf32>,
    return
  }
  func.func @transform_0(%arg0: i32) -> i32 {
    %c0_i32 = arith.constant 0 : i32
    %c0_i32_0 = arith.constant 0 : i32
    return %c0_i32 : i32
  }
  func.func @transform_1(%arg0: i32) -> (i32, i32, i32, i32) {
    %c0_i32 = arith.constant 0 : i32
    %c0_i32_0 = arith.constant 0 : i32
    %c0_i32_1 = arith.constant 0 : i32
    %c0_i32_2 = arith.constant 0 : i32
    return %arg0, %c0_i32, %c0_i32_0, %c0_i32_1 : i32, i32, i32, i32
  }
  func.func @transform_2(%arg0: i32) -> (i32, i32, i32, i32) {
    %c0_i32 = arith.constant 0 : i32
    %c0_i32_0 = arith.constant 0 : i32
    %c0_i32_1 = arith.constant 0 : i32
    %c0_i32_2 = arith.constant 0 : i32
    return %arg0, %c0_i32, %c0_i32_0, %c0_i32_1 : i32, i32, i32, i32
  }
  func.func @transform_3(%arg0: i32) -> (i32, i32, i32, i32) {
    %c0_i32 = arith.constant 0 : i32
    %c0_i32_0 = arith.constant 0 : i32
    %c0_i32_1 = arith.constant 0 : i32
    %c0_i32_2 = arith.constant 0 : i32
    return %arg0, %c0_i32, %c0_i32_0, %c0_i32_1 : i32, i32, i32, i32
  }
}

</mosaic_0001>

<sc_bundles>
// kernel: kernel.4.cloned.1.call-start
scs
__scs_entry_jumppad:
0x0: {  	(pc) =	sbr.rel $0x88, $3  }
0x1: {  	(tag) =	ssettag $0x0;
	lr =	simm.s32 $0x1  }
0x2: {  	[smem:$0x3F9E] =	sst lr;
	_ =	strace $0xD0000000  }
0x3: {  	_ = 	snop  }
0x4: {  	_ = 	snop  }
0x5: {  	_ = 	snop  }
0x6: {  	_ = 	snop  }
0x7: {  	_ = 	snop  }
__scs_overlays_trampoline_lowered:
0x8: {  	[smem:$0x3FAD] =	sst s0  }
0x9: {  	[smem:$0x3FAE] =	sst s1  }
0xa: {  	[smem:$0x3FAF] =	sst s2  }
0xb: {  	[smem:$0x3FB0] =	sst s3  }
0xc: {  	[smem:$0x3FB1] =	sst s4  }
0xd: {  	[smem:$0x3FB2] =	sst s5  }
0xe: {  	[smem:$0x3FB3] =	sst s6  }
0xf: {  	[smem:$0x3FB4] =	sst s7  }
0x10: {  	[smem:$0x3FB5] =	sst s8  }
0x11: {  	[smem:$0x3FB6] =	sst s9;
	s0 =	simm.s32 @!p0 $0x0  }
0x12: {  	s1 =	sld [smem:$0x3F9C];
	s0 =	simm.s32 @p0 $0x1  }
0x13: {  	[smem:$0x3FB7] =	sst s0;
	s0 =	simm.s32 @!p1 $0x0  }
0x14: {  	s2 =	sld [smem:$0x3F9B];
	s0 =	simm.s32 @p1 $0x1  }
0x15: {  	[smem:$0x3FB8] =	sst s0;
	s0 =	simm.s32 @!p2 $0x0  }
0x16: {  	s3 =	sld [smem:$0x3FDB];
	s0 =	simm.s32 @p2 $0x1  }
0x17: {  	s4 =	simm.s32 $0x1BF5;
	[smem:$0x3FBA] =	sst s0  }
0x18: {  	s0 =	sld [smem:$0x3F9D];
	_ =	swait.ge [sflag:s4], $0x0  }
0x19: {  	s7 =	sld [smem:$0x3F9E]  }
0x1a: {  	s8 =	sadd.s32 $0xFFFFE003, lr  }
0x1b: {  	s9 =	sadd.s32 $0xFFFFFEF7, lr;
	s5 =	simm.s32 $0xFFFFFFFF;
	p2 =	slt.u32 s8, $0xFFFFF086  }
0x1c: {  	p1 =	slt.u32 s9, $0xF7A;
	s5 =	simm.s32 @!p2 $0x0  }
0x1d: {  	s5 =	simm.s32 @p1 $0x1;
	p0 =	seq.s32 s7, s2  }
0x1e: {  	s7 =	smul.u32 @!p0 $0xF7A, s2;
	p2 =	seq.s32 @!p0 s5, $0x0  }
0x1f: {  	s9 =	smul.u32 $0xF7A, s1;
	s8 =	simm.s32 @!p0 $0x1BF5;
	p2 =	por !p2, p0  }
0x20: {  	[sflag:s8] =	ssyncset.s32 @!p0 $0xFFFFF086;
	s6 =	sadd.s32 @!p0 s3, s7;
	s7 =	simm.s32 @!p0 $0x108  }
0x21: {  	s3 =	sadd.s32 s3, s9;
	s6 =	sadd.s32 @!p0 $0x88, s6;
	s7 =	simm.s32 @p2 $0x1082  }
0x22: {  	[simem:s7], [sflag:s8] =	dma.local @!p0 [hbm:s6], $0xF7A  }
0x23: {  	s9 =	sor.u32 $0xD0000000, s2;
	s6 =	simm.s32 $0x108;
	_ =	swait.ge @!p0 [sflag:s8], $0x0  }
0x24: {  	s3 =	sadd.s32 $0x88, s3;
	s6 =	simm.s32 @!p1 $0x1082;
	[sflag:s4] =	ssyncset.s32 $0xFFFFF086  }
0x25: {  	[simem:s6], [sflag:s4] =	dma.local [hbm:s3], $0xF7A  }
0x26: {  	[smem:$0x3F9E] =	sst s1;
	(tag) =	ssettag s2;
	_ =	strace s9  }
0x27: {  	s1 =	sld [smem:$0x3FAE]  }
0x28: {  	s2 =	sld [smem:$0x3FAF]  }
0x29: {  	s4 =	sld [smem:$0x3FB1]  }
0x2a: {  	p0 =	seq.s32 s5, $0x0;
	s5 =	sld [smem:$0x3FB2]  }
0x2b: {  	s6 =	sld [smem:$0x3FB3]  }
0x2c: {  	s7 =	sld [smem:$0x3FB4]  }
0x2d: {  	s3 =	simm.s32 $0x108;
	s8 =	sld [smem:$0x3FB5]  }
0x2e: {  	s3 =	simm.s32 @!p0 $0x1082;
	s9 =	sld [smem:$0x3FB6]  }
0x2f: {  	lr =	sadd.s32 s0, s3;
	s0 =	sld [smem:$0x3FAD]  }
0x30: {  	s3 =	sld [smem:$0x3FB0]  }
0x31: {  	[smem:$0x3FB9] =	sst s10  }
0x32: {  	s10 =	sld [smem:$0x3FB7];
	_ =	sdelay $0x3  }
0x33: {  	p0 =	seq.s32 s10, $0x1;
	s10 =	sld [smem:$0x3FB9];
	_ =	sdelay $0x3  }
0x34: {  	[smem:$0x3FB9] =	sst s10  }
0x35: {  	s10 =	sld [smem:$0x3FB8];
	_ =	sdelay $0x3  }
0x36: {  	p1 =	seq.s32 s10, $0x1;
	s10 =	sld [smem:$0x3FB9];
	_ =	sdelay $0x3  }
0x37: {  	[smem:$0x3FB9] =	sst s10  }
0x38: {  	s10 =	sld [smem:$0x3FBA]  }
0x39: {  	_ = 	snop;
	(pc) =	sbr.ind lr, $3  }
0x3a: {  	_ = 	snop  }
0x3b: {  	_ = 	snop  }
0x3c: {  	p2 =	seq.s32 s10, $0x1;
	s10 =	sld [smem:$0x3FB9]  }
0x3d: {  	_ =	shalt  }
0x3e: {  	_ =	shalt  }
0x3f: {  	_ =	shalt  }
0x40: {  	_ =	shalt  }
0x41: {  	_ =	shalt  }
0x42: {  	_ =	shalt  }
0x43: {  	_ =	shalt  }
0x44: {  	_ =	shalt  }
0x45: {  	_ =	shalt  }
0x46: {  	_ =	shalt  }
0x47: {  	_ =	shalt  }
0x48: {  	_ =	shalt  }
0x49: {  	_ =	shalt  }
0x4a: {  	_ =	shalt  }
0x4b: {  	_ =	shalt  }
0x4c: {  	_ =	shalt  }
0x4d: {  	_ =	shalt  }
0x4e: {  	_ =	shalt  }
0x4f: {  	_ =	shalt  }
0x50: {  	_ =	shalt  }
0x51: {  	_ =	shalt  }
0x52: {  	_ =	shalt  }
0x53: {  	_ =	shalt  }
0x54: {  	_ =	shalt  }
0x55: {  	_ =	shalt  }
0x56: {  	_ =	shalt  }
0x57: {  	_ =	shalt  }
0x58: {  	_ =	shalt  }
0x59: {  	_ =	shalt  }
0x5a: {  	_ =	shalt  }
0x5b: {  	_ =	shalt  }
0x5c: {  	_ =	shalt  }
0x5d: {  	_ =	shalt  }
0x5e: {  	_ =	shalt  }
0x5f: {  	_ =	shalt  }
0x60: {  	_ =	shalt  }
0x61: {  	_ =	shalt  }
0x62: {  	_ =	shalt  }
0x63: {  	_ =	shalt  }
0x64: {  	_ =	shalt  }
0x65: {  	_ =	shalt  }
0x66: {  	_ =	shalt  }
0x67: {  	_ =	shalt  }
0x68: {  	_ =	shalt  }
0x69: {  	_ =	shalt  }
0x6a: {  	_ =	shalt  }
0x6b: {  	_ =	shalt  }
0x6c: {  	_ =	shalt  }
0x6d: {  	_ =	shalt  }
0x6e: {  	_ =	shalt  }
0x6f: {  	_ =	shalt  }
0x70: {  	_ =	shalt  }
0x71: {  	_ =	shalt  }
0x72: {  	_ =	shalt  }
0x73: {  	_ =	shalt  }
0x74: {  	_ =	shalt  }
0x75: {  	_ =	shalt  }
0x76: {  	_ =	shalt  }
0x77: {  	_ =	shalt  }
0x78: {  	_ =	shalt  }
0x79: {  	_ =	shalt  }
0x7a: {  	_ =	shalt  }
0x7b: {  	_ =	shalt  }
0x7c: {  	_ =	shalt  }
0x7d: {  	_ =	shalt  }
0x7e: {  	_ =	shalt  }
0x7f: {  	_ =	shalt  }
0x80: {  	_ =	shalt  }
0x81: {  	_ =	shalt  }
0x82: {  	_ =	shalt  }
0x83: {  	_ =	shalt  }
0x84: {  	_ =	shalt  }
0x85: {  	_ =	shalt  }
0x86: {  	_ =	shalt  }
0x87: {  	_ =	shalt  }
.Lfunc_end0:
.L_simem_size_0:
called_computation_lowered:
.L_overlay_start_0:
0x88: {  	s2 =	sld [smem:$0x3FD9]  }
0x89: {  	s3 =	sld [smem:$0x3FFE];
	_ =	sdelay $0x1  }
0x8a: {  	s1 =	srdreg.scid  }
0x8b: {  	s0 =	sand.u32 $0x1, s1  }
0x8c: {  	s17 =	sshll.u32 s0, $0xA;
	s2 =	sadd.s32 s3, s2  }
0x8d: {  	s2 =	sadd.s32 s2, s17  }
0x8e: {  	[smem:$0x3FC5] =	sst s2  }
0x8f: {  	_ = 	snop  }
0x90: {  	s2 =	sld [smem:$0x3FC8]  }
0x91: {  	s18 =	sld [smem:$0x3FD0];
	(tm) =	ssettm $0x1  }
0x92: {  	s4 =	sld [smem:$0x3FFB];
	_ =	sdelay $0x3  }
0x93: {  	_ =	strace s4  }
0x94: {  	s4 =	sld [smem:$0x3FFC];
	_ =	sdelay $0x3  }
0x95: {  	_ =	strace s4  }
0x96: {  	s4 =	sld [smem:$0x3FFD];
	_ =	sdelay $0x3  }
0x97: {  	_ =	strace s4  }
0x98: {  	_ =	strace $0x8FFFFFFF  }
0x99: {  	s19 =	sld [smem:$0x3FDB];
	_ =	sdelay $0x1  }
0x9a: {  	s5 =	simm.s32 $_scs_section_size  }
0x9b: {  	s6 =	simm.s32 $_size__tile_overlayer_lowered;
	s7 =	simm.s32 $_tile_overlayer_lowered  }
0x9c: {  	s22 =	simm.s32 $0x1BFF;
	s21 =	sshll.u32 s7, $0x1;
	s4 =	sadd.s32 s5, s19  }
0x9d: {  	s8 =	simm.s32 $0x0;
	s20 =	sshll.u32 s6, $0x1;
	s6 =	sadd.s32 s21, s4  }
0x9e: {  	[timem:s8], [sflag:s22] =	dma.local [hbm:s6], s20  }
0x9f: {  	_ =	swait.ge [sflag:s22], s20  }
0xa0: {  	s5 =	ssub.s32 $0x0, s20;
	[sflag:s22] =	ssyncset.done $0x0  }
0xa1: {  	[sflag:s22] =	ssyncadd.s32 s5;
	_ =	sdelay $0x1  }
0xa2: {  	s23 =	simm.s32 $0x1B8B  }
0xa3: {  	_ =	swait.ge [sflag:s23], $0x1  }
0xa4: {  	[sflag:s23] =	ssyncset.done $0x0  }
0xa5: {  	s25 =	simm.s32 $0x1B8E;
	s24 =	sld [smem:$0x3FFE];
	[sflag:s23] =	ssyncadd.s32 $0xFFFFFFFF  }
0xa6: {  	s26 =	simm.s32 $execute0_lowered;
	[smem:$0x3FD2] =	sst s25  }
0xa7: {  	s6 =	sshll.u32 s26, $0x1;
	_ =	strace $0x80000046;
	[dreg:$0x1] =	wrdreg $0xFFFFFFFF  }
0xa8: {  	s28 =	simm.s32 $_size_execute0_lowered;
	s4 =	sadd.s32 s4, s6;
	[dreg:$0x0] =	wrdreg $0x0  }
0xa9: {  	s6 =	sshll.u32 s28, $0x1;
	[dreg:$0x2] =	wrdreg s4  }
0xaa: {  	[dreg:$0x3] =	wrdreg s6  }
0xab: {  	[dreg:$0x4] =	wrdreg $0xC0  }
0xac: {  	_ =	task [dreg:s8], $0x5FFFF  }
0xad: {  	[dreg:$0x1] =	wrdreg $0xFFFFFFFF  }
0xae: {  	[dreg:$0x0] =	wrdreg $0x60  }
0xaf: {  	[dreg:$0x2] =	wrdreg s18  }
0xb0: {  	[dreg:$0x3] =	wrdreg s2  }
0xb1: {  	[dreg:$0x4] =	wrdreg s24  }
0xb2: {  	[dreg:$0x5] =	wrdreg $0x9  }
0xb3: {  	_ =	task.clear_ibuf [dreg:s8], $0x6FFFF;
	_ =	strace $0x90000046  }
0xb4: {  	s29 =	simm.s32 $0x9;
	_ =	strace $0x80000048  }
0xb5: {  	_ =	swait.ge [sflag:s29], $0x1  }
0xb6: {  	[sflag:s29] =	ssyncadd.s32 $0xFFFFFFFF  }
0xb7: {  	_ =	strace $0x90000048  }
0xb8: {  	_ =	sfence  }
0xb9: {  	s30 =	sld [smem:$0x0];
	_ =	sdelay $0x2  }
0xba: {  	s31 =	sshll.u32 s1, $0xD;
	s1 =	sshrl.u32 s1, $0x2  }
0xbb: {  	s3 =	sand.u32 $0x4000, s31;
	s1 =	sadd.s32 s1, s30  }
0xbc: {  	s0 =	sor.u32 s3, s0;
	s1 =	sshll.u32 s1, $0x11  }
0xbd: {  	s0 =	sor.u32 s1, s0  }
0xbe: {  	s0 =	sadd.s32 $0x8F2B, s0  }
0xbf: {  	[sflag:s0] =	ssyncadd.remote.s32 $0x1  }
0xc0: {  	_ =	sfence.sel $0xFFFF  }
0xc1: {  	[dreg:$0x0] =	wrdreg $0xFFFFFFFF;
	(pc) =	sbr.abs _section_cstart, $3  }
0xc2: {  	[dreg:$0x1] =	wrdreg $0xFFFFFFFF  }
0xc3: {  	_ =	task.clear_ibuf [dreg:s8], $0x2FFFF;
	_ =	strace $0x9FFFFFFF  }
0xc4: {  	(tm) =	ssettm $0x7FFFFFFF  }
0xc5: {  	_ =	shalt  }
tec
execute0_lowered:
.L_overlay_start_1:
0x0: {  	(tag) =	ssettag $0x1  }
0x1: {  	s0 =	srdreg.scid  }
0x2: {  	s6 =	sand.u32 $0x1, s0;
	s0 =	stileid.u32  }
0x3: {  	s4 =	sshll.u32 s0, $0x1;
	s5 =	ssub.s32 $0x0, s6  }
0x4: {  	p0 =	sne.s32 s4, s5  }
.Ltmp0:
0x5: {  	_ = 	snop;
	(pc) =	sbr.rel @p0 .LBB2_4-.Ltmp0, $4  }
0x6: {  	s2 =	rddreg [dreg:$0x0]  }
0x7: {  	s3 =	rddreg [dreg:$0x1]  }
0x8: {  	s9 =	rddreg [dreg:$0x2]  }
0x9: {  	s1 =	rddreg [dreg:$0x3];
	_ =	strace $0x80000047  }
0xa: {  	s5 =	simm.s32 $0x0;
	s4 =	simm.s32 $0x2  }
0xb: {  	[tilespmem:s5], [sflag:$0x2] =	stream.linear.gather [hbm4b:s3+s5], $0x20, $0x38;
	[tilespmem:$0x100] =	vst v63  }
0xc: {  	_ =	swait.ge [sflag:s4], $0x20  }
0xd: {  	[sflag:s4] =	ssyncset.done $0x0  }
0xe: {  	[sflag:s4] =	ssyncadd.s32 $0xFFFFFFE0  }
0xf: {  	v0 =	vld [tilespmem:$0x0]  }
0x10: {  	v1 =	vld [tilespmem:$0x10];
	_ =	sdelay $0x1  }
0x11: {  	s10 =	ssub.s32 $0x2, s6  }
0x12: {  	s11 =	sshrl.u32 s10, $0x1  }
0x13: {  	s10 =	ssub.s32 s10, s11;
	v0 =	vadd.s32 $0x400, v0  }
0x14: {  	s6 =	simm.s32 $0x40;
	s10 =	smax.u32 s10, $0x1;
	v63 =	vadd.s32 $0x400, v1;
	[tilespmem:$0x20] =	vst v0  }
0x15: {  	s7 =	simm.s32 $0x80;
	s8 =	simm.s32 $0x1;
	p0 =	sne.s32 s10, $0x1;
	[tilespmem:$0x30] =	vst v63  }
0x16: {  	[tilespmem:s7], [sflag:$0x1] =	stream.indirect.gather [hbm4b:s2+s6], $0x1, s5, s6, $0xb8;
	[tilespmem:$0x100] =	vst v63  }
.Ltmp1:
0x17: {  	_ =	swait.ge [sflag:s8], $0x40;
	(pc) =	sbr.rel @!p0 .LBB2_3-.Ltmp1, $4  }
0x18: {  	[sflag:s8] =	ssyncset.done $0x0  }
0x19: {  	s9 =	sadd.s32 $0x800, s9;
	[sflag:s8] =	ssyncadd.s32 $0xFFFFFFC0  }
0x1a: {  	[hbm4b:s9+s5] =	stream.linear.scatter [tilespmem:s7], [sflag:$0x2], $0x80, $0x38;
	[tilespmem:$0x100] =	vst v63  }
0x1b: {  	s10 =	sadd.s32 $0xFFFFFFFF, s10;
	_ =	swait.ge [sflag:s4], $0x80  }
.LBB2_2:
0x1c: {  	p0 =	sne.s32 s10, $0x1;
	s10 =	sadd.s32 $0xFFFFFFFF, s10;
	[sflag:s4] =	ssyncset.done $0x0  }
0x1d: {  	[sflag:s4] =	ssyncadd.s32 $0xFFFFFF80  }
0x1e: {  	[tilespmem:s5], [sflag:$0x2] =	stream.linear.gather [hbm4b:s3+s5], $0x20, $0x38;
	[tilespmem:$0x100] =	vst v63  }
0x1f: {  	_ =	swait.ge [sflag:s4], $0x20  }
0x20: {  	[sflag:s4] =	ssyncset.done $0x0  }
0x21: {  	[sflag:s4] =	ssyncadd.s32 $0xFFFFFFE0  }
0x22: {  	v0 =	vld [tilespmem:$0x0]  }
0x23: {  	v1 =	vld [tilespmem:$0x10];
	_ =	sdelay $0x3  }
0x24: {  	v0 =	vadd.s32 $0x400, v0  }
0x25: {  	[tilespmem:$0x20] =	vst v0;
	v0 =	vadd.s32 $0x400, v1  }
0x26: {  	[tilespmem:$0x30] =	vst v0  }
0x27: {  	[tilespmem:s7], [sflag:$0x1] =	stream.indirect.gather [hbm4b:s2+s6], $0x1, s5, s6, $0xb8;
	[tilespmem:$0x100] =	vst v63  }
.Ltmp2:
0x28: {  	_ =	swait.ge [sflag:s8], $0x40;
	(pc) =	sbr.rel @p0 .LBB2_2-.Ltmp2, $4  }
0x29: {  	[sflag:s8] =	ssyncset.done $0x0  }
0x2a: {  	[sflag:s8] =	ssyncadd.s32 $0xFFFFFFC0  }
0x2b: {  	[hbm4b:s9+s5] =	stream.linear.scatter [tilespmem:s7], [sflag:$0x2], $0x80, $0x38;
	[tilespmem:$0x100] =	vst v63  }
0x2c: {  	_ =	swait.ge [sflag:s4], $0x80  }
.LBB2_3:
0x2d: {  	[sflag:s4] =	ssyncset.done $0x0  }
0x2e: {  	[sflag:s4] =	ssyncadd.s32 $0xFFFFFF80  }
.LBB2_4:
0x2f: {  	_ =	sfence.sel $0x180000  }
0x30: {  	[bflag:$0x0] =	sbarrier.arrive $0xFFFF  }
0x31: {  	p0 =	sne.s32 s0, $0x0;
	_ =	strace $0x90000047  }
0x32: {  	s0 =	sadd.s32 @!p0 $0x100000, s1;
	[bflag:$0x2] =	sbarrier.arrive $0xFFFF  }
0x33: {  	[sflag:s0] =	ssyncadd.tile.s32 @!p0 $0x1;
	_ =	shalt  }
.Lfunc_end2:
_tile_overlayer_lowered:
.L_overlay_start_2:
0x34: {  	(tag) =	ssettag $0x2  }
0x35: {  	s0 =	rddreg [dreg:$0x0];
	s2 =	stileid.u32  }
0x36: {  	s1 =	rddreg [dreg:$0x1];
	p0 =	sne.s32 s2, $0x0  }
0x37: {  	s3 =	rddreg [dreg:$0x2];
	[bflag:$0x3] =	sbarrier.arrive $0xFFFF;
	s2 =	simm.s32 @!p0 $0x1C02  }
0x38: {  	[timem:s3], [sflag:s2] =	dma.local @!p0 [hbm:s0], s1  }
0x39: {  	s0 =	simm.s32 @!p0 $0x2  }
0x3a: {  	_ =	swait.ge @!p0 [sflag:s0], s1  }
0x3b: {  	s1 =	ssub.s32 @!p0 $0x0, s1;
	[sflag:s0] =	ssyncset.done @!p0 $0x0  }
0x3c: {  	[sflag:s0] =	ssyncadd.s32 @!p0 s1  }
0x3d: {  	[bflag:$0x3] =	sbarrier.arrive $0xFFFF  }
0x3e: {  	_ =	shalt  }

</sc_bundles>
